<compile_context>
chip_gen: v7x
topology: tpu7x:2x2x1
jax: 0.10.2.dev20260603
libtpu: 0.0.44.dev20260713+nightly
codegen_flags: <defaults>
</compile_context>

<pallas_src>
import functools
import math

import jax
import jax.numpy as jnp
from jax import lax
from jax.experimental import pallas as pl
from jax.experimental.pallas import tpu as pltpu
from jax.experimental.pallas import tpu_sc as plsc

NC = 2
NS = 16
NW = NC * NS
CH = 128


def _sc_gather(table, idx3):
    nw, n_ch, ch = idx3.shape
    _, d = table.shape
    n = nw * n_ch * ch
    rows_per_w = n_ch * ch
    mesh = plsc.VectorSubcoreMesh(core_axis_name="c", subcore_axis_name="s")

    @functools.partial(
        pl.kernel,
        out_type=jax.ShapeDtypeStruct((n, d), jnp.float32),
        mesh=mesh,
        scratch_types=[
            pltpu.VMEM((n_ch, ch), jnp.int32),
            pltpu.VMEM((ch, d), jnp.float32),
            pltpu.VMEM((ch, d), jnp.float32),
            pltpu.SemaphoreType.DMA,
            pltpu.SemaphoreType.DMA,
        ],
    )
    def gather_kernel(table_hbm, idx_hbm, out_hbm, idx_v, buf0, buf1, sem0, sem1):
        wid = lax.axis_index("s") * NC + lax.axis_index("c")
        base = wid * rows_per_w
        pltpu.sync_copy(idx_hbm.at[wid], idx_v)
        pltpu.async_copy(table_hbm.at[idx_v.at[0]], buf0, sem0)

        def body(c, carry):
            nxt = c + 1

            @pl.when(jnp.logical_and(nxt < n_ch, nxt % 2 == 0))
            def _():
                pltpu.async_copy(table_hbm.at[idx_v.at[nxt]], buf0, sem0)

            @pl.when(jnp.logical_and(nxt < n_ch, nxt % 2 == 1))
            def _():
                pltpu.async_copy(table_hbm.at[idx_v.at[nxt]], buf1, sem1)

            off = pl.multiple_of(base + c * ch, 8)

            @pl.when(c % 2 == 0)
            def _():
                pltpu.make_async_copy(table_hbm.at[idx_v.at[c]], buf0, sem0).wait()
                pltpu.sync_copy(buf0, out_hbm.at[pl.ds(off, ch)])

            @pl.when(c % 2 == 1)
            def _():
                pltpu.make_async_copy(table_hbm.at[idx_v.at[c]], buf1, sem1).wait()
                pltpu.sync_copy(buf1, out_hbm.at[pl.ds(off, ch)])

            return carry

        lax.fori_loop(0, n_ch, body, 0)

    return gather_kernel(table, idx3)


def _gelu(x):
    a = x * 0.5
    return a * lax.erf(x * (1.0 / math.sqrt(2.0))) + a


def _sincos(x):
    two_over_pi = 0.6366197723675814
    p1 = 1.5703125
    p2 = 4.837512969970703125e-4
    magic = 12582912.0
    k = x * two_over_pi + magic
    ib = lax.bitcast_convert_type(k, jnp.int32)
    ji = ib - jnp.int32(0x4B400000)
    jf = ji.astype(jnp.float32)
    y = x - jf * p1
    y = y - jf * p2
    z = y * y
    s = z * (-1.9515295891e-4) + 8.3321608736e-3
    s = z * s - 1.6666654611e-1
    s = y + y * z * s
    c = z * 2.443315711809948e-5 - 1.388731625493765e-3
    c = z * c + 4.166664568298827e-2
    c = 1.0 - 0.5 * z + z * z * c
    swap = jnp.bitwise_and(ib, 1) == 1
    sin_v = jnp.where(swap, c, s)
    cos_v = jnp.where(swap, s, c)
    sflip = jnp.left_shift(jnp.bitwise_and(ib, 2), 30)
    cflip = jnp.left_shift(jnp.bitwise_and(ib + 1, 2), 30)
    sin_v = lax.bitcast_convert_type(
        jnp.bitwise_xor(lax.bitcast_convert_type(sin_v, jnp.int32), sflip),
        jnp.float32)
    cos_v = lax.bitcast_convert_type(
        jnp.bitwise_xor(lax.bitcast_convert_type(cos_v, jnp.int32), cflip),
        jnp.float32)
    return sin_v, cos_v


def _ln(x, g, b, avg, eps=1e-5):
    m = jnp.dot(x, avg, preferred_element_type=jnp.float32)
    c = x - m
    v = jnp.dot(c * c, avg, preferred_element_type=jnp.float32)
    return c * lax.rsqrt(v + eps) * g + b


def _dot(a, b):
    return jnp.dot(a, b, preferred_element_type=jnp.float32)


def _transpose_pad(tt, v_rows):
    d_id, v = tt.shape
    bc = 2048
    grid = (v + bc - 1) // bc
    v_pad = grid * bc

    def body(t_ref, o_ref):
        xt = t_ref[...].T
        o_ref[...] = jnp.concatenate(
            [xt, jnp.zeros((bc, 128 - d_id), jnp.float32)], axis=-1)

    out = pl.pallas_call(
        body,
        grid=(grid,),
        in_specs=[pl.BlockSpec((d_id, bc), lambda i: (0, i))],
        out_specs=pl.BlockSpec((bc, 128), lambda i: (i, 0)),
        out_shape=jax.ShapeDtypeStruct((v_pad, 128), jnp.float32),
        compiler_params=pltpu.CompilerParams(
            dimension_semantics=("arbitrary",),
        ),
    )(tt)
    return out


def _tc_dense(identity, d_id, vals, freqs, W1, b1, W2, b2, g1, be1, Wf, bf, g2, be2):
    n, id_w = identity.shape
    nf = freqs.shape[1]
    d = Wf.shape[1]
    bt = 4096
    grid = n // bt

    def body(id_ref, v_ref, f_ref, W1_ref, b1_ref, W2_ref,
             b2_ref, g1_ref, be1_ref, Wf_ref, bf_ref, g2_ref, be2_ref, o_ref):
        args = v_ref[...] * f_ref[...]
        sin_a, cos_a = _sincos(args)
        femb = jnp.concatenate([sin_a, cos_a], -1)
        h = _dot(femb, W1_ref[...])
        h = _gelu(h + b1_ref[...])
        ve = _dot(h, W2_ref[...]) + b2_ref[...]
        avg = jnp.full((d, d), 1.0 / d, dtype=jnp.float32)
        comb = jnp.concatenate([id_ref[...][:, :d_id], ve], -1)
        x = _ln(comb, g1_ref[...], be1_ref[...], avg)
        x = _gelu(_dot(x, Wf_ref[...]) + bf_ref[...])
        o_ref[...] = _ln(x, g2_ref[...], be2_ref[...], avg)

    full = lambda a: pl.BlockSpec(a.shape, lambda i: (0,) * a.ndim)
    return pl.pallas_call(
        body,
        grid=(grid,),
        in_specs=[
            pl.BlockSpec((bt, id_w), lambda i: (i, 0)),
            pl.BlockSpec((bt, 1), lambda i: (i, 0)),
            full(freqs), full(W1), full(b1), full(W2), full(b2),
            full(g1), full(be1), full(Wf), full(bf), full(g2), full(be2),
        ],
        out_specs=pl.BlockSpec((bt, d), lambda i: (i, 0)),
        out_shape=jax.ShapeDtypeStruct((n, d), jnp.float32),
        compiler_params=pltpu.CompilerParams(
            dimension_semantics=("arbitrary",),
        ),
    )(identity, vals, freqs, W1, b1, W2, b2, g1, be1, Wf, bf, g2, be2)


def kernel(indices, values, freqs, table, W1, b1, W2, b2,
           ln1_g, ln1_b, Wf, bf, ln2_g, ln2_b):
    b, l = indices.shape
    n = b * l
    d = Wf.shape[1]
    d_id = table.shape[1]
    idx3 = indices.reshape(NW, n // (NW * CH), CH)
    table128 = _transpose_pad(table.T, table.shape[0])
    identity = _sc_gather(table128, idx3)
    out = _tc_dense(
        identity, d_id,
        values.reshape(n, 1),
        freqs.reshape(1, -1),
        W1, b1.reshape(1, -1), W2, b2.reshape(1, -1),
        ln1_g.reshape(1, -1), ln1_b.reshape(1, -1),
        Wf, bf.reshape(1, -1),
        ln2_g.reshape(1, -1), ln2_b.reshape(1, -1),
    )
    return out.reshape(b, l, d)

# --- scband reference (transcript-rebuilt; emitter-appended) ---
"""Pipeline reference for scband-sc-rnatokenizer-34454227648756 (READ-ONLY COPY).

The authoritative reference and input builder live on the scoring server;
editing this copy changes nothing except your own understanding.
"""

import math
import jax, jax.numpy as jnp
import numpy as np

B, L = 1024, 200
V = 100000
D = 128
D_ID = 64
D_VAL = 64
NFREQ = 32


def _layernorm(x, g, b, eps=1e-5):
    m = jnp.mean(x, axis=-1, keepdims=True)
    v = jnp.var(x, axis=-1, keepdims=True)
    return (x - m) / jnp.sqrt(v + eps) * g + b


def setup_inputs(seed: int = 0) -> dict:
    key = jax.random.key(seed)
    ks = jax.random.split(key, 12)
    indices = jax.random.randint(ks[0], (B, L), 0, V, dtype=jnp.int64 if jax.config.jax_enable_x64 else jnp.int32).astype(jnp.int32)
    values = jax.random.uniform(ks[1], (B, L), dtype=jnp.float32)
    freqs = jnp.logspace(math.log10(1.0), math.log10(1000.0), NFREQ, dtype=jnp.float32) * 1.0
    table = jax.random.normal(ks[2], (V, D_ID), dtype=jnp.float32) * 0.02
    W1 = jax.random.normal(ks[3], (2 * NFREQ, 2 * D_VAL), dtype=jnp.float32) * 0.02
    b1 = jnp.zeros((2 * D_VAL,), dtype=jnp.float32)
    W2 = jax.random.normal(ks[4], (2 * D_VAL, D_VAL), dtype=jnp.float32) * 0.02
    b2 = jnp.zeros((D_VAL,), dtype=jnp.float32)
    ln1_g = jnp.ones((D_ID + D_VAL,), dtype=jnp.float32)
    ln1_b = jnp.zeros((D_ID + D_VAL,), dtype=jnp.float32)
    Wf = jax.random.normal(ks[5], (D_ID + D_VAL, D), dtype=jnp.float32) * 0.02
    bf = jnp.zeros((D,), dtype=jnp.float32)
    ln2_g = jnp.ones((D,), dtype=jnp.float32)
    ln2_b = jnp.zeros((D,), dtype=jnp.float32)
    return {"indices": indices, "values": values, "freqs": freqs, "table": table,
            "W1": W1, "b1": b1, "W2": W2, "b2": b2,
            "ln1_g": ln1_g, "ln1_b": ln1_b, "Wf": Wf, "bf": bf,
            "ln2_g": ln2_g, "ln2_b": ln2_b}


def reference(indices, values, freqs, table, W1, b1, W2, b2, ln1_g, ln1_b, Wf, bf, ln2_g, ln2_b):
    # identity embedding: gather rows of the gene table
    identity_embedding = jnp.take(table, indices, axis=0)  # [B, L, D_ID]
    # fourier value encoding
    fourier_args = values[..., None] * freqs  # [B, L, NFREQ]
    fourier_embedding_raw = jnp.concatenate([jnp.sin(fourier_args), jnp.cos(fourier_args)], axis=-1)  # [B, L, 2*NFREQ]
    h = jax.nn.gelu(fourier_embedding_raw @ W1 + b1, approximate=False)
    value_embedding = h @ W2 + b2  # [B, L, D_VAL]
    combined = jnp.concatenate([identity_embedding, value_embedding], axis=-1)  # [B, L, D_ID+D_VAL]
    x = _layernorm(combined, ln1_g, ln1_b)
    x = x @ Wf + bf
    x = jax.nn.gelu(x, approximate=False)
    final_tokens = _layernorm(x, ln2_g, ln2_b)
    return final_tokens

if __name__ == "__main__":
    import jax
    _d = setup_inputs()
    print(jax.jit(kernel)(*tuple(_d.values())))

</pallas_src>

<mosaic_0001>
#map = affine_map<(d0, d1) -> (0, 0)>
#map1 = affine_map<(d0, d1) -> (0, 0, 0)>
module attributes {stable_mosaic.version = 14 : i64} {
  func.func @gather_kernel(%arg0: i32, %arg1: i32, %arg2: memref<100352x128xf32, #tpu.memory_space<hbm>>, %arg3: memref<32x50x128xi32, #tpu.memory_space<hbm>>, %arg4: memref<204800x128xf32, #tpu.memory_space<hbm>>, %arg5: memref<50x128xi32, #tpu.memory_space<vmem>>, %arg6: memref<128x128xf32, #tpu.memory_space<vmem>>, %arg7: memref<128x128xf32, #tpu.memory_space<vmem>>, %arg8: memref<!tpu.dma_semaphore, #tpu.memory_space<semaphore_mem>>, %arg9: memref<!tpu.dma_semaphore, #tpu.memory_space<semaphore_mem>>) attributes {dimension_semantics = [#tpu.dimension_semantics<core_parallel>, #tpu.dimension_semantics<subcore_parallel>], iteration_bounds = array<i64: 2, 16>, scalar_prefetch = 0 : i64, scratch_operands = 5 : i64, tpu.core_type = #tpu.core_type<sc_vector_subcore>, window_params = [{transform_indices = #map}, {transform_indices = #map1}, {transform_indices = #map}]} {
    %mul3A = arith.constant 2 : i32
    %mul3A_0 = arith.muli %arg1, %mul3A : i32
    %add3A = arith.addi %mul3A_0, %arg0 : i32
    %mul3A_1 = arith.constant 6400 : i32
    %mul3A_2 = arith.muli %add3A, %mul3A_1 : i32
    "tpu.region"() ({
      %run_scoped3A = tpu.sem_alloc : memref<!tpu.dma_semaphore, #tpu.memory_space<semaphore_mem>>
      %dma_start3A_14 = arith.constant 0 : i32
      %dma_start3A_15 = arith.constant 0 : i32
      %dma_start3A_16 = tpu.memref_slice %arg3[%add3A, %dma_start3A_14, %dma_start3A_15] : memref<32x50x128xi32, #tpu.memory_space<hbm>> -> memref<1x50x128xi32, #tpu.memory_space<hbm>>
      %dma_start3A_17 = tpu.memref_squeeze %dma_start3A_16 : memref<1x50x128xi32, #tpu.memory_space<hbm>> -> memref<50x128xi32, #tpu.memory_space<hbm>>
      %dma_start3A_18 = arith.constant 0 : i32
      %dma_start3A_19 = arith.constant 0 : i32
      %dma_start3A_20 = tpu.memref_slice %arg3[%add3A, %dma_start3A_18, %dma_start3A_19] : memref<32x50x128xi32, #tpu.memory_space<hbm>> -> memref<1x50x128xi32, #tpu.memory_space<hbm>>
      %dma_start3A_21 = tpu.memref_squeeze %dma_start3A_20 : memref<1x50x128xi32, #tpu.memory_space<hbm>> -> memref<50x128xi32, #tpu.memory_space<hbm>>
      tpu.enqueue_dma source(%dma_start3A_21 : memref<50x128xi32, #tpu.memory_space<hbm>>) target(%arg5 : memref<50x128xi32, #tpu.memory_space<vmem>>) target_semaphore(%run_scoped3A : memref<!tpu.dma_semaphore, #tpu.memory_space<semaphore_mem>>)
      %dma_wait3A = arith.constant 0 : i32
      %dma_wait3A_22 = arith.constant 0 : i32
      %dma_wait3A_23 = tpu.memref_slice %arg3[%add3A, %dma_wait3A, %dma_wait3A_22] : memref<32x50x128xi32, #tpu.memory_space<hbm>> -> memref<1x50x128xi32, #tpu.memory_space<hbm>>
      %dma_wait3A_24 = tpu.memref_squeeze %dma_wait3A_23 : memref<1x50x128xi32, #tpu.memory_space<hbm>> -> memref<50x128xi32, #tpu.memory_space<hbm>>
      %dma_wait3A_25 = arith.constant 0 : i32
      %dma_wait3A_26 = arith.constant 0 : i32
      %dma_wait3A_27 = tpu.memref_slice %arg3[%add3A, %dma_wait3A_25, %dma_wait3A_26] : memref<32x50x128xi32, #tpu.memory_space<hbm>> -> memref<1x50x128xi32, #tpu.memory_space<hbm>>
      %dma_wait3A_28 = tpu.memref_squeeze %dma_wait3A_27 : memref<1x50x128xi32, #tpu.memory_space<hbm>> -> memref<50x128xi32, #tpu.memory_space<hbm>>
      tpu.wait_dma2 semaphore(%run_scoped3A : memref<!tpu.dma_semaphore, #tpu.memory_space<semaphore_mem>>) src(%dma_wait3A_28 : memref<50x128xi32, #tpu.memory_space<hbm>>) dst(%arg5 : memref<50x128xi32, #tpu.memory_space<vmem>>)
      tpu.yield
    }) : () -> ()
    %dma_start3A = arith.constant 0 : i32
    %dma_start3A_3 = arith.constant 0 : i32
    %dma_start3A_4 = tpu.memref_slice %arg5[%dma_start3A, %dma_start3A_3] : memref<50x128xi32, #tpu.memory_space<vmem>> -> memref<1x128xi32, #tpu.memory_space<vmem>>
    %dma_start3A_5 = tpu.memref_squeeze %dma_start3A_4 : memref<1x128xi32, #tpu.memory_space<vmem>> -> memref<128xi32, #tpu.memory_space<vmem>>
    %dma_start3A_6 = arith.constant 0 : i32
    %dma_start3A_7 = arith.constant 0 : i32
    %dma_start3A_8 = tpu.memref_slice %arg2[%dma_start3A_6, %dma_start3A_7] : memref<100352x128xf32, #tpu.memory_space<hbm>> -> memref<100352x128xf32, #tpu.memory_space<hbm>>
    tpu.enqueue_indirect_dma source(%dma_start3A_8 : memref<100352x128xf32, #tpu.memory_space<hbm>>) target(%arg6 : memref<128x128xf32, #tpu.memory_space<vmem>>) offsets(%dma_start3A_5 : memref<128xi32, #tpu.memory_space<vmem>>) semaphore(%arg8 : memref<!tpu.dma_semaphore, #tpu.memory_space<semaphore_mem>>)
    %scan3A = arith.constant 0 : i32
    %scan3A_9 = arith.constant 0 : i32
    %scan3A_10 = arith.constant 50 : i32
    %scan3A_11 = arith.addi %scan3A_9, %scan3A_10 : i32
    %scan3A_12 = arith.constant 1 : i32
    scf.for %scan3A_14 = %scan3A_9 to %scan3A_11 step %scan3A_12  : i32 {
      %add3A_15 = arith.constant 1 : i32
      %add3A_16 = arith.addi %scan3A_14, %add3A_15 : i32
      %lt3A = arith.constant 50 : i32
      %lt3A_17 = arith.cmpi slt, %add3A_16, %lt3A : i32
      %jit3A = arith.constant 2 : i32
      %eq3A = arith.constant 0 : i32
      %eq3A_18 = arith.cmpi eq, %jit3A, %eq3A : i32
      %jit3A_19 = arith.constant 1 : i32
      %select_n3A = arith.select %eq3A_18, %jit3A_19, %jit3A : i32
      %rem3A = arith.remsi %add3A_16, %select_n3A : i32
      %ne3A = arith.constant 0 : i32
      %ne3A_20 = arith.cmpi ne, %rem3A, %ne3A : i32
      %lt3A_21 = arith.constant 0 : i32
      %lt3A_22 = arith.cmpi slt, %rem3A, %lt3A_21 : i32
      %lt3A_23 = arith.constant 0 : i32
      %lt3A_24 = arith.cmpi slt, %select_n3A, %lt3A_23 : i32
      %ne3A_25 = arith.xori %lt3A_22, %lt3A_24 : i1
      %and3A = arith.andi %ne3A_25, %ne3A_20 : i1
      %add3A_26 = arith.addi %rem3A, %select_n3A : i32
      %select_n3A_27 = arith.select %and3A, %add3A_26, %rem3A : i32
      %eq3A_28 = arith.constant 0 : i32
      %eq3A_29 = arith.cmpi eq, %select_n3A_27, %eq3A_28 : i32
      %and3A_30 = arith.andi %lt3A_17, %eq3A_29 : i1
      %convert_element_type3A = arith.extui %and3A_30 : i1 to i32
      %cond3A = arith.constant 0 : i32
      %cond3A_31 = arith.cmpi ne, %convert_element_type3A, %cond3A : i32
      scf.if %cond3A_31 {
        %dma_start3A_101 = arith.constant 0 : i32
        %dma_start3A_102 = tpu.memref_slice %arg5[%add3A_16, %dma_start3A_101] : memref<50x128xi32, #tpu.memory_space<vmem>> -> memref<1x128xi32, #tpu.memory_space<vmem>>
        %dma_start3A_103 = tpu.memref_squeeze %dma_start3A_102 : memref<1x128xi32, #tpu.memory_space<vmem>> -> memref<128xi32, #tpu.memory_space<vmem>>
        %dma_start3A_104 = arith.constant 0 : i32
        %dma_start3A_105 = arith.constant 0 : i32
        %dma_start3A_106 = tpu.memref_slice %arg2[%dma_start3A_104, %dma_start3A_105] : memref<100352x128xf32, #tpu.memory_space<hbm>> -> memref<100352x128xf32, #tpu.memory_space<hbm>>
        tpu.enqueue_indirect_dma source(%dma_start3A_106 : memref<100352x128xf32, #tpu.memory_space<hbm>>) target(%arg6 : memref<128x128xf32, #tpu.memory_space<vmem>>) offsets(%dma_start3A_103 : memref<128xi32, #tpu.memory_space<vmem>>) semaphore(%arg8 : memref<!tpu.dma_semaphore, #tpu.memory_space<semaphore_mem>>)
      } else {
      }
      %lt3A_32 = arith.constant 50 : i32
      %lt3A_33 = arith.cmpi slt, %add3A_16, %lt3A_32 : i32
      %jit3A_34 = arith.constant 2 : i32
      %eq3A_35 = arith.constant 0 : i32
      %eq3A_36 = arith.cmpi eq, %jit3A_34, %eq3A_35 : i32
      %jit3A_37 = arith.constant 1 : i32
      %select_n3A_38 = arith.select %eq3A_36, %jit3A_37, %jit3A_34 : i32
      %rem3A_39 = arith.remsi %add3A_16, %select_n3A_38 : i32
      %ne3A_40 = arith.constant 0 : i32
      %ne3A_41 = arith.cmpi ne, %rem3A_39, %ne3A_40 : i32
      %lt3A_42 = arith.constant 0 : i32
      %lt3A_43 = arith.cmpi slt, %rem3A_39, %lt3A_42 : i32
      %lt3A_44 = arith.constant 0 : i32
      %lt3A_45 = arith.cmpi slt, %select_n3A_38, %lt3A_44 : i32
      %ne3A_46 = arith.xori %lt3A_43, %lt3A_45 : i1
      %and3A_47 = arith.andi %ne3A_46, %ne3A_41 : i1
      %add3A_48 = arith.addi %rem3A_39, %select_n3A_38 : i32
      %select_n3A_49 = arith.select %and3A_47, %add3A_48, %rem3A_39 : i32
      %eq3A_50 = arith.constant 1 : i32
      %eq3A_51 = arith.cmpi eq, %select_n3A_49, %eq3A_50 : i32
      %and3A_52 = arith.andi %lt3A_33, %eq3A_51 : i1
      %convert_element_type3A_53 = arith.extui %and3A_52 : i1 to i32
      %cond3A_54 = arith.constant 0 : i32
      %cond3A_55 = arith.cmpi ne, %convert_element_type3A_53, %cond3A_54 : i32
      scf.if %cond3A_55 {
        %dma_start3A_101 = arith.constant 0 : i32
        %dma_start3A_102 = tpu.memref_slice %arg5[%add3A_16, %dma_start3A_101] : memref<50x128xi32, #tpu.memory_space<vmem>> -> memref<1x128xi32, #tpu.memory_space<vmem>>
        %dma_start3A_103 = tpu.memref_squeeze %dma_start3A_102 : memref<1x128xi32, #tpu.memory_space<vmem>> -> memref<128xi32, #tpu.memory_space<vmem>>
        %dma_start3A_104 = arith.constant 0 : i32
        %dma_start3A_105 = arith.constant 0 : i32
        %dma_start3A_106 = tpu.memref_slice %arg2[%dma_start3A_104, %dma_start3A_105] : memref<100352x128xf32, #tpu.memory_space<hbm>> -> memref<100352x128xf32, #tpu.memory_space<hbm>>
        tpu.enqueue_indirect_dma source(%dma_start3A_106 : memref<100352x128xf32, #tpu.memory_space<hbm>>) target(%arg7 : memref<128x128xf32, #tpu.memory_space<vmem>>) offsets(%dma_start3A_103 : memref<128xi32, #tpu.memory_space<vmem>>) semaphore(%arg9 : memref<!tpu.dma_semaphore, #tpu.memory_space<semaphore_mem>>)
      } else {
      }
      %mul3A_56 = arith.constant 128 : i32
      %mul3A_57 = arith.muli %scan3A_14, %mul3A_56 : i32
      %add3A_58 = arith.addi %mul3A_2, %mul3A_57 : i32
      %multiple_of3A = tpu.assume_multiple %add3A_58, 8 : i32
      %jit3A_59 = arith.constant 2 : i32
      %eq3A_60 = arith.constant 0 : i32
      %eq3A_61 = arith.cmpi eq, %jit3A_59, %eq3A_60 : i32
      %jit3A_62 = arith.constant 1 : i32
      %select_n3A_63 = arith.select %eq3A_61, %jit3A_62, %jit3A_59 : i32
      %rem3A_64 = arith.remsi %scan3A_14, %select_n3A_63 : i32
      %ne3A_65 = arith.constant 0 : i32
      %ne3A_66 = arith.cmpi ne, %rem3A_64, %ne3A_65 : i32
      %lt3A_67 = arith.constant 0 : i32
      %lt3A_68 = arith.cmpi slt, %rem3A_64, %lt3A_67 : i32
      %lt3A_69 = arith.constant 0 : i32
      %lt3A_70 = arith.cmpi slt, %select_n3A_63, %lt3A_69 : i32
      %ne3A_71 = arith.xori %lt3A_68, %lt3A_70 : i1
      %and3A_72 = arith.andi %ne3A_71, %ne3A_66 : i1
      %add3A_73 = arith.addi %rem3A_64, %select_n3A_63 : i32
      %select_n3A_74 = arith.select %and3A_72, %add3A_73, %rem3A_64 : i32
      %eq3A_75 = arith.constant 0 : i32
      %eq3A_76 = arith.cmpi eq, %select_n3A_74, %eq3A_75 : i32
      %convert_element_type3A_77 = arith.extui %eq3A_76 : i1 to i32
      %cond3A_78 = arith.constant 0 : i32
      %cond3A_79 = arith.cmpi ne, %convert_element_type3A_77, %cond3A_78 : i32
      scf.if %cond3A_79 {
        %dma_wait3A = arith.constant 0 : i32
        %dma_wait3A_101 = tpu.memref_slice %arg5[%scan3A_14, %dma_wait3A] : memref<50x128xi32, #tpu.memory_space<vmem>> -> memref<1x128xi32, #tpu.memory_space<vmem>>
        %dma_wait3A_102 = tpu.memref_squeeze %dma_wait3A_101 : memref<1x128xi32, #tpu.memory_space<vmem>> -> memref<128xi32, #tpu.memory_space<vmem>>
        %dma_wait3A_103 = arith.constant 0 : i32
        %dma_wait3A_104 = arith.constant 0 : i32
        %dma_wait3A_105 = tpu.memref_slice %arg2[%dma_wait3A_103, %dma_wait3A_104] : memref<100352x128xf32, #tpu.memory_space<hbm>> -> memref<100352x128xf32, #tpu.memory_space<hbm>>
        tpu.wait_indirect_dma semaphore(%arg8 : memref<!tpu.dma_semaphore, #tpu.memory_space<semaphore_mem>>) src(%dma_wait3A_105 : memref<100352x128xf32, #tpu.memory_space<hbm>>) dst(%arg6 : memref<128x128xf32, #tpu.memory_space<vmem>>)
        "tpu.region"() ({
          %run_scoped3A = tpu.sem_alloc : memref<!tpu.dma_semaphore, #tpu.memory_space<semaphore_mem>>
          %dma_start3A_106 = arith.constant 0 : i32
          %dma_start3A_107 = tpu.memref_slice %arg4[%multiple_of3A, %dma_start3A_106] : memref<204800x128xf32, #tpu.memory_space<hbm>> -> memref<128x128xf32, #tpu.memory_space<hbm>>
          %dma_start3A_108 = arith.constant 0 : i32
          %dma_start3A_109 = tpu.memref_slice %arg4[%multiple_of3A, %dma_start3A_108] : memref<204800x128xf32, #tpu.memory_space<hbm>> -> memref<128x128xf32, #tpu.memory_space<hbm>>
          tpu.enqueue_dma source(%arg6 : memref<128x128xf32, #tpu.memory_space<vmem>>) target(%dma_start3A_109 : memref<128x128xf32, #tpu.memory_space<hbm>>) target_semaphore(%run_scoped3A : memref<!tpu.dma_semaphore, #tpu.memory_space<semaphore_mem>>)
          %dma_wait3A_110 = arith.constant 0 : i32
          %dma_wait3A_111 = tpu.memref_slice %arg4[%multiple_of3A, %dma_wait3A_110] : memref<204800x128xf32, #tpu.memory_space<hbm>> -> memref<128x128xf32, #tpu.memory_space<hbm>>
          %dma_wait3A_112 = arith.constant 0 : i32
          %dma_wait3A_113 = tpu.memref_slice %arg4[%multiple_of3A, %dma_wait3A_112] : memref<204800x128xf32, #tpu.memory_space<hbm>> -> memref<128x128xf32, #tpu.memory_space<hbm>>
          tpu.wait_dma2 semaphore(%run_scoped3A : memref<!tpu.dma_semaphore, #tpu.memory_space<semaphore_mem>>) src(%arg6 : memref<128x128xf32, #tpu.memory_space<vmem>>) dst(%dma_wait3A_113 : memref<128x128xf32, #tpu.memory_space<hbm>>)
          tpu.yield
        }) : () -> ()
      } else {
      }
      %jit3A_80 = arith.constant 2 : i32
      %eq3A_81 = arith.constant 0 : i32
      %eq3A_82 = arith.cmpi eq, %jit3A_80, %eq3A_81 : i32
      %jit3A_83 = arith.constant 1 : i32
      %select_n3A_84 = arith.select %eq3A_82, %jit3A_83, %jit3A_80 : i32
      %rem3A_85 = arith.remsi %scan3A_14, %select_n3A_84 : i32
      %ne3A_86 = arith.constant 0 : i32
      %ne3A_87 = arith.cmpi ne, %rem3A_85, %ne3A_86 : i32
      %lt3A_88 = arith.constant 0 : i32
      %lt3A_89 = arith.cmpi slt, %rem3A_85, %lt3A_88 : i32
      %lt3A_90 = arith.constant 0 : i32
      %lt3A_91 = arith.cmpi slt, %select_n3A_84, %lt3A_90 : i32
      %ne3A_92 = arith.xori %lt3A_89, %lt3A_91 : i1
      %and3A_93 = arith.andi %ne3A_92, %ne3A_87 : i1
      %add3A_94 = arith.addi %rem3A_85, %select_n3A_84 : i32
      %select_n3A_95 = arith.select %and3A_93, %add3A_94, %rem3A_85 : i32
      %eq3A_96 = arith.constant 1 : i32
      %eq3A_97 = arith.cmpi eq, %select_n3A_95, %eq3A_96 : i32
      %convert_element_type3A_98 = arith.extui %eq3A_97 : i1 to i32
      %cond3A_99 = arith.constant 0 : i32
      %cond3A_100 = arith.cmpi ne, %convert_element_type3A_98, %cond3A_99 : i32
      scf.if %cond3A_100 {
        %dma_wait3A = arith.constant 0 : i32
        %dma_wait3A_101 = tpu.memref_slice %arg5[%scan3A_14, %dma_wait3A] : memref<50x128xi32, #tpu.memory_space<vmem>> -> memref<1x128xi32, #tpu.memory_space<vmem>>
        %dma_wait3A_102 = tpu.memref_squeeze %dma_wait3A_101 : memref<1x128xi32, #tpu.memory_space<vmem>> -> memref<128xi32, #tpu.memory_space<vmem>>
        %dma_wait3A_103 = arith.constant 0 : i32
        %dma_wait3A_104 = arith.constant 0 : i32
        %dma_wait3A_105 = tpu.memref_slice %arg2[%dma_wait3A_103, %dma_wait3A_104] : memref<100352x128xf32, #tpu.memory_space<hbm>> -> memref<100352x128xf32, #tpu.memory_space<hbm>>
        tpu.wait_indirect_dma semaphore(%arg9 : memref<!tpu.dma_semaphore, #tpu.memory_space<semaphore_mem>>) src(%dma_wait3A_105 : memref<100352x128xf32, #tpu.memory_space<hbm>>) dst(%arg7 : memref<128x128xf32, #tpu.memory_space<vmem>>)
        "tpu.region"() ({
          %run_scoped3A = tpu.sem_alloc : memref<!tpu.dma_semaphore, #tpu.memory_space<semaphore_mem>>
          %dma_start3A_106 = arith.constant 0 : i32
          %dma_start3A_107 = tpu.memref_slice %arg4[%multiple_of3A, %dma_start3A_106] : memref<204800x128xf32, #tpu.memory_space<hbm>> -> memref<128x128xf32, #tpu.memory_space<hbm>>
          %dma_start3A_108 = arith.constant 0 : i32
          %dma_start3A_109 = tpu.memref_slice %arg4[%multiple_of3A, %dma_start3A_108] : memref<204800x128xf32, #tpu.memory_space<hbm>> -> memref<128x128xf32, #tpu.memory_space<hbm>>
          tpu.enqueue_dma source(%arg7 : memref<128x128xf32, #tpu.memory_space<vmem>>) target(%dma_start3A_109 : memref<128x128xf32, #tpu.memory_space<hbm>>) target_semaphore(%run_scoped3A : memref<!tpu.dma_semaphore, #tpu.memory_space<semaphore_mem>>)
          %dma_wait3A_110 = arith.constant 0 : i32
          %dma_wait3A_111 = tpu.memref_slice %arg4[%multiple_of3A, %dma_wait3A_110] : memref<204800x128xf32, #tpu.memory_space<hbm>> -> memref<128x128xf32, #tpu.memory_space<hbm>>
          %dma_wait3A_112 = arith.constant 0 : i32
          %dma_wait3A_113 = tpu.memref_slice %arg4[%multiple_of3A, %dma_wait3A_112] : memref<204800x128xf32, #tpu.memory_space<hbm>> -> memref<128x128xf32, #tpu.memory_space<hbm>>
          tpu.wait_dma2 semaphore(%run_scoped3A : memref<!tpu.dma_semaphore, #tpu.memory_space<semaphore_mem>>) src(%arg7 : memref<128x128xf32, #tpu.memory_space<vmem>>) dst(%dma_wait3A_113 : memref<128x128xf32, #tpu.memory_space<hbm>>)
          tpu.yield
        }) : () -> ()
      } else {
      }
    }
    %scan3A_13 = arith.constant 50 : i32
    return
  }
}

module attributes {stable_mosaic.version = 14 : i64} {
  func.func @body(%arg0: i32, %arg1: memref<64x2048xf32, #tpu.memory_space<vmem>>, %arg2: memref<2048x128xf32, #tpu.memory_space<vmem>>) attributes {dimension_semantics = [#tpu.dimension_semantics<arbitrary>], iteration_bounds = array<i64: 49>, scalar_prefetch = 0 : i64, scratch_operands = 0 : i64, tpu.core_type = #tpu.core_type<tc>, window_params = [{transform_indices = @transform_0, window_bounds = array<i64: 64, 2048>}, {transform_indices = @transform_1, window_bounds = array<i64: 2048, 128>}]} {
    %get3A = arith.constant 0 : index
    %get3A_0 = arith.constant 0 : index
    %get3A_1 = vector.load %arg1[%get3A, %get3A_0] : memref<64x2048xf32, #tpu.memory_space<vmem>>, vector<64x2048xf32>
    %transpose3A = tpu.transpose %get3A_1, [1, 0] : vector<64x2048xf32> -> vector<2048x64xf32>
    %broadcast_in_dim3A = arith.constant 0.000000e+00 : f32
    %broadcast_in_dim3A_2 = vector.broadcast %broadcast_in_dim3A : f32 to vector<2048x64xf32>
    %concatenate3A = tpu.concatenate %transpose3A, %broadcast_in_dim3A_2 in 1 : vector<2048x64xf32>, vector<2048x64xf32> -> vector<2048x128xf32>
    %swap3A = arith.constant 0 : index
    %swap3A_3 = arith.constant 0 : index
    %swap3A_4 = vector.load %arg2[%swap3A, %swap3A_3] : memref<2048x128xf32, #tpu.memory_space<vmem>>, vector<2048x128xf32>
    tpu.vector_store %arg2[%swap3A, %swap3A_3], %concatenate3A {strides = array<i32>} : memref<2048x128xf32, #tpu.memory_space<vmem>>, vector<2048x128xf32>,
    return
  }
  func.func @transform_0(%arg0: i32) -> (i32, i32) {
    %c0_i32 = arith.constant 0 : i32
    %c0_i32_0 = arith.constant 0 : i32
    return %c0_i32, %arg0 : i32, i32
  }
  func.func @transform_1(%arg0: i32) -> (i32, i32) {
    %c0_i32 = arith.constant 0 : i32
    %c0_i32_0 = arith.constant 0 : i32
    return %arg0, %c0_i32 : i32, i32
  }
}

module attributes {stable_mosaic.version = 14 : i64} {
  func.func @body(%arg0: i32, %arg1: memref<4096x128xf32, #tpu.memory_space<vmem>>, %arg2: memref<4096x1xf32, #tpu.memory_space<vmem>>, %arg3: memref<1x32xf32, #tpu.memory_space<vmem>>, %arg4: memref<64x128xf32, #tpu.memory_space<vmem>>, %arg5: memref<1x128xf32, #tpu.memory_space<vmem>>, %arg6: memref<128x64xf32, #tpu.memory_space<vmem>>, %arg7: memref<1x64xf32, #tpu.memory_space<vmem>>, %arg8: memref<1x128xf32, #tpu.memory_space<vmem>>, %arg9: memref<1x128xf32, #tpu.memory_space<vmem>>, %arg10: memref<128x128xf32, #tpu.memory_space<vmem>>, %arg11: memref<1x128xf32, #tpu.memory_space<vmem>>, %arg12: memref<1x128xf32, #tpu.memory_space<vmem>>, %arg13: memref<1x128xf32, #tpu.memory_space<vmem>>, %arg14: memref<4096x128xf32, #tpu.memory_space<vmem>>) attributes {dimension_semantics = [#tpu.dimension_semantics<arbitrary>], iteration_bounds = array<i64: 50>, scalar_prefetch = 0 : i64, scratch_operands = 0 : i64, tpu.core_type = #tpu.core_type<tc>, window_params = [{transform_indices = @transform_0, window_bounds = array<i64: 4096, 128>}, {transform_indices = @transform_1, window_bounds = array<i64: 4096, 1>}, {pipeline_mode = #tpu.pipeline_mode<synchronous>, transform_indices = @transform_2, window_bounds = array<i64: 1, 32>}, {pipeline_mode = #tpu.pipeline_mode<synchronous>, transform_indices = @transform_3, window_bounds = array<i64: 64, 128>}, {pipeline_mode = #tpu.pipeline_mode<synchronous>, transform_indices = @transform_4, window_bounds = array<i64: 1, 128>}, {pipeline_mode = #tpu.pipeline_mode<synchronous>, transform_indices = @transform_5, window_bounds = array<i64: 128, 64>}, {pipeline_mode = #tpu.pipeline_mode<synchronous>, transform_indices = @transform_6, window_bounds = array<i64: 1, 64>}, {pipeline_mode = #tpu.pipeline_mode<synchronous>, transform_indices = @transform_7, window_bounds = array<i64: 1, 128>}, {pipeline_mode = #tpu.pipeline_mode<synchronous>, transform_indices = @transform_8, window_bounds = array<i64: 1, 128>}, {pipeline_mode = #tpu.pipeline_mode<synchronous>, transform_indices = @transform_9, window_bounds = array<i64: 128, 128>}, {pipeline_mode = #tpu.pipeline_mode<synchronous>, transform_indices = @transform_10, window_bounds = array<i64: 1, 128>}, {pipeline_mode = #tpu.pipeline_mode<synchronous>, transform_indices = @transform_11, window_bounds = array<i64: 1, 128>}, {pipeline_mode = #tpu.pipeline_mode<synchronous>, transform_indices = @transform_12, window_bounds = array<i64: 1, 128>}, {transform_indices = @transform_13, window_bounds = array<i64: 4096, 128>}]} {
    %get3A = arith.constant 0 : index
    %get3A_0 = arith.constant 0 : index
    %get3A_1 = vector.load %arg2[%get3A, %get3A_0] : memref<4096x1xf32, #tpu.memory_space<vmem>>, vector<4096x1xf32>
    %get3A_2 = arith.constant 0 : index
    %get3A_3 = arith.constant 0 : index
    %get3A_4 = vector.load %arg3[%get3A_2, %get3A_3] : memref<1x32xf32, #tpu.memory_space<vmem>>, vector<1x32xf32>
    %mul3A = vector.broadcast %get3A_1 : vector<4096x1xf32> to vector<4096x32xf32>
    %mul3A_5 = vector.broadcast %get3A_4 : vector<1x32xf32> to vector<4096x32xf32>
    %mul3A_6 = arith.mulf %mul3A, %mul3A_5 : vector<4096x32xf32>
    %mul3A_7 = arith.constant 0.636619746 : f32
    %mul3A_8 = vector.broadcast %mul3A_7 : f32 to vector<4096x32xf32>
    %mul3A_9 = arith.mulf %mul3A_6, %mul3A_8 : vector<4096x32xf32>
    %add3A = arith.constant 0x4B400000 : f32
    %add3A_10 = vector.broadcast %add3A : f32 to vector<4096x32xf32>
    %add3A_11 = arith.addf %mul3A_9, %add3A_10 : vector<4096x32xf32>
    %bitcast_convert_type3A = tpu.bitcast %add3A_11 : vector<4096x32xf32> -> vector<4096x32xi32>
    %sub3A = arith.constant 1262485504 : i32
    %sub3A_12 = vector.broadcast %sub3A : i32 to vector<4096x32xi32>
    %sub3A_13 = arith.subi %bitcast_convert_type3A, %sub3A_12 : vector<4096x32xi32>
    %convert_element_type3A = arith.sitofp %sub3A_13 : vector<4096x32xi32> to vector<4096x32xf32>
    %mul3A_14 = arith.constant 1.5703125 : f32
    %mul3A_15 = vector.broadcast %mul3A_14 : f32 to vector<4096x32xf32>
    %mul3A_16 = arith.mulf %convert_element_type3A, %mul3A_15 : vector<4096x32xf32>
    %sub3A_17 = arith.subf %mul3A_6, %mul3A_16 : vector<4096x32xf32>
    %mul3A_18 = arith.constant 4.83751297E-4 : f32
    %mul3A_19 = vector.broadcast %mul3A_18 : f32 to vector<4096x32xf32>
    %mul3A_20 = arith.mulf %convert_element_type3A, %mul3A_19 : vector<4096x32xf32>
    %sub3A_21 = arith.subf %sub3A_17, %mul3A_20 : vector<4096x32xf32>
    %mul3A_22 = arith.mulf %sub3A_21, %sub3A_21 : vector<4096x32xf32>
    %mul3A_23 = arith.constant -1.95152956E-4 : f32
    %mul3A_24 = vector.broadcast %mul3A_23 : f32 to vector<4096x32xf32>
    %mul3A_25 = arith.mulf %mul3A_22, %mul3A_24 : vector<4096x32xf32>
    %add3A_26 = arith.constant 0.00833216123 : f32
    %add3A_27 = vector.broadcast %add3A_26 : f32 to vector<4096x32xf32>
    %add3A_28 = arith.addf %mul3A_25, %add3A_27 : vector<4096x32xf32>
    %mul3A_29 = arith.mulf %mul3A_22, %add3A_28 : vector<4096x32xf32>
    %sub3A_30 = arith.constant 0.166666552 : f32
    %sub3A_31 = vector.broadcast %sub3A_30 : f32 to vector<4096x32xf32>
    %sub3A_32 = arith.subf %mul3A_29, %sub3A_31 : vector<4096x32xf32>
    %mul3A_33 = arith.mulf %sub3A_21, %mul3A_22 : vector<4096x32xf32>
    %mul3A_34 = arith.mulf %mul3A_33, %sub3A_32 : vector<4096x32xf32>
    %add3A_35 = arith.addf %sub3A_21, %mul3A_34 : vector<4096x32xf32>
    %mul3A_36 = arith.constant 2.44331568E-5 : f32
    %mul3A_37 = vector.broadcast %mul3A_36 : f32 to vector<4096x32xf32>
    %mul3A_38 = arith.mulf %mul3A_22, %mul3A_37 : vector<4096x32xf32>
    %sub3A_39 = arith.constant 0.00138873165 : f32
    %sub3A_40 = vector.broadcast %sub3A_39 : f32 to vector<4096x32xf32>
    %sub3A_41 = arith.subf %mul3A_38, %sub3A_40 : vector<4096x32xf32>
    %mul3A_42 = arith.mulf %mul3A_22, %sub3A_41 : vector<4096x32xf32>
    %add3A_43 = arith.constant 0.0416666456 : f32
    %add3A_44 = vector.broadcast %add3A_43 : f32 to vector<4096x32xf32>
    %add3A_45 = arith.addf %mul3A_42, %add3A_44 : vector<4096x32xf32>
    %mul3A_46 = arith.constant 5.000000e-01 : f32
    %mul3A_47 = vector.broadcast %mul3A_46 : f32 to vector<4096x32xf32>
    %mul3A_48 = arith.mulf %mul3A_47, %mul3A_22 : vector<4096x32xf32>
    %sub3A_49 = arith.constant 1.000000e+00 : f32
    %sub3A_50 = vector.broadcast %sub3A_49 : f32 to vector<4096x32xf32>
    %sub3A_51 = arith.subf %sub3A_50, %mul3A_48 : vector<4096x32xf32>
    %mul3A_52 = arith.mulf %mul3A_22, %mul3A_22 : vector<4096x32xf32>
    %mul3A_53 = arith.mulf %mul3A_52, %add3A_45 : vector<4096x32xf32>
    %add3A_54 = arith.addf %sub3A_51, %mul3A_53 : vector<4096x32xf32>
    %and3A = arith.constant 1 : i32
    %and3A_55 = vector.broadcast %and3A : i32 to vector<4096x32xi32>
    %and3A_56 = arith.andi %bitcast_convert_type3A, %and3A_55 : vector<4096x32xi32>
    %eq3A = arith.constant 1 : i32
    %eq3A_57 = vector.broadcast %eq3A : i32 to vector<4096x32xi32>
    %eq3A_58 = arith.cmpi eq, %and3A_56, %eq3A_57 : vector<4096x32xi32>
    %select_n3A = arith.select %eq3A_58, %add3A_54, %add3A_35 : vector<4096x32xi1>, vector<4096x32xf32>
    %select_n3A_59 = arith.select %eq3A_58, %add3A_35, %add3A_54 : vector<4096x32xi1>, vector<4096x32xf32>
    %and3A_60 = arith.constant 2 : i32
    %and3A_61 = vector.broadcast %and3A_60 : i32 to vector<4096x32xi32>
    %and3A_62 = arith.andi %bitcast_convert_type3A, %and3A_61 : vector<4096x32xi32>
    %shift_left3A = arith.constant 30 : i32
    %shift_left3A_63 = vector.broadcast %shift_left3A : i32 to vector<4096x32xi32>
    %shift_left3A_64 = arith.shli %and3A_62, %shift_left3A_63 : vector<4096x32xi32>
    %add3A_65 = arith.constant 1 : i32
    %add3A_66 = vector.broadcast %add3A_65 : i32 to vector<4096x32xi32>
    %add3A_67 = arith.addi %bitcast_convert_type3A, %add3A_66 : vector<4096x32xi32>
    %and3A_68 = arith.constant 2 : i32
    %and3A_69 = vector.broadcast %and3A_68 : i32 to vector<4096x32xi32>
    %and3A_70 = arith.andi %add3A_67, %and3A_69 : vector<4096x32xi32>
    %shift_left3A_71 = arith.constant 30 : i32
    %shift_left3A_72 = vector.broadcast %shift_left3A_71 : i32 to vector<4096x32xi32>
    %shift_left3A_73 = arith.shli %and3A_70, %shift_left3A_72 : vector<4096x32xi32>
    %bitcast_convert_type3A_74 = tpu.bitcast %select_n3A : vector<4096x32xf32> -> vector<4096x32xi32>
    %xor3A = arith.xori %bitcast_convert_type3A_74, %shift_left3A_64 : vector<4096x32xi32>
    %bitcast_convert_type3A_75 = tpu.bitcast %xor3A : vector<4096x32xi32> -> vector<4096x32xf32>
    %bitcast_convert_type3A_76 = tpu.bitcast %select_n3A_59 : vector<4096x32xf32> -> vector<4096x32xi32>
    %xor3A_77 = arith.xori %bitcast_convert_type3A_76, %shift_left3A_73 : vector<4096x32xi32>
    %bitcast_convert_type3A_78 = tpu.bitcast %xor3A_77 : vector<4096x32xi32> -> vector<4096x32xf32>
    %concatenate3A = tpu.concatenate %bitcast_convert_type3A_75, %bitcast_convert_type3A_78 in 1 : vector<4096x32xf32>, vector<4096x32xf32> -> vector<4096x64xf32>
    %get3A_79 = arith.constant 0 : index
    %get3A_80 = arith.constant 0 : index
    %get3A_81 = vector.load %arg4[%get3A_79, %get3A_80] : memref<64x128xf32, #tpu.memory_space<vmem>>, vector<64x128xf32>
    %dot_general3A = arith.constant dense<0.000000e+00> : vector<4096x128xf32>
    %dot_general3A_82 = tpu.matmul %concatenate3A, %get3A_81, %dot_general3A {dimension_numbers = #tpu.dot_dimension_numbers<[1], [0], [0], [1], [0, 0, 1, 1], [], []>, transpose_lhs_hint = false} : vector<4096x64xf32>, vector<64x128xf32>, vector<4096x128xf32> -> vector<4096x128xf32>
    %get3A_83 = arith.constant 0 : index
    %get3A_84 = arith.constant 0 : index
    %get3A_85 = vector.load %arg5[%get3A_83, %get3A_84] : memref<1x128xf32, #tpu.memory_space<vmem>>, vector<1x128xf32>
    %add3A_86 = vector.broadcast %get3A_85 : vector<1x128xf32> to vector<4096x128xf32>
    %add3A_87 = arith.addf %dot_general3A_82, %add3A_86 : vector<4096x128xf32>
    %mul3A_88 = arith.constant 5.000000e-01 : f32
    %mul3A_89 = vector.broadcast %mul3A_88 : f32 to vector<4096x128xf32>
    %mul3A_90 = arith.mulf %add3A_87, %mul3A_89 : vector<4096x128xf32>
    %mul3A_91 = arith.constant 0.707106769 : f32
    %mul3A_92 = vector.broadcast %mul3A_91 : f32 to vector<4096x128xf32>
    %mul3A_93 = arith.mulf %add3A_87, %mul3A_92 : vector<4096x128xf32>
    %erf3A = math.erf %mul3A_93 : vector<4096x128xf32>
    %mul3A_94 = arith.mulf %mul3A_90, %erf3A : vector<4096x128xf32>
    %add3A_95 = arith.addf %mul3A_94, %mul3A_90 : vector<4096x128xf32>
    %get3A_96 = arith.constant 0 : index
    %get3A_97 = arith.constant 0 : index
    %get3A_98 = vector.load %arg6[%get3A_96, %get3A_97] : memref<128x64xf32, #tpu.memory_space<vmem>>, vector<128x64xf32>
    %dot_general3A_99 = arith.constant dense<0.000000e+00> : vector<4096x64xf32>
    %dot_general3A_100 = tpu.matmul %add3A_95, %get3A_98, %dot_general3A_99 {dimension_numbers = #tpu.dot_dimension_numbers<[1], [0], [0], [1], [0, 0, 1, 1], [], []>, transpose_lhs_hint = false} : vector<4096x128xf32>, vector<128x64xf32>, vector<4096x64xf32> -> vector<4096x64xf32>
    %get3A_101 = arith.constant 0 : index
    %get3A_102 = arith.constant 0 : index
    %get3A_103 = vector.load %arg7[%get3A_101, %get3A_102] : memref<1x64xf32, #tpu.memory_space<vmem>>, vector<1x64xf32>
    %add3A_104 = vector.broadcast %get3A_103 : vector<1x64xf32> to vector<4096x64xf32>
    %add3A_105 = arith.addf %dot_general3A_100, %add3A_104 : vector<4096x64xf32>
    %broadcast_in_dim3A = arith.constant 7.812500e-03 : f32
    %broadcast_in_dim3A_106 = vector.broadcast %broadcast_in_dim3A : f32 to vector<128x128xf32>
    %get3A_107 = arith.constant 0 : index
    %get3A_108 = arith.constant 0 : index
    %get3A_109 = vector.load %arg1[%get3A_107, %get3A_108] : memref<4096x128xf32, #tpu.memory_space<vmem>>, vector<4096x128xf32>
    %slice3A = vector.extract_strided_slice %get3A_109 {offsets = [0, 0], sizes = [4096, 64], strides = [1, 1]} : vector<4096x128xf32> to vector<4096x64xf32>
    %concatenate3A_110 = tpu.concatenate %slice3A, %add3A_105 in 1 : vector<4096x64xf32>, vector<4096x64xf32> -> vector<4096x128xf32>
    %get3A_111 = arith.constant 0 : index
    %get3A_112 = arith.constant 0 : index
    %get3A_113 = vector.load %arg8[%get3A_111, %get3A_112] : memref<1x128xf32, #tpu.memory_space<vmem>>, vector<1x128xf32>
    %get3A_114 = arith.constant 0 : index
    %get3A_115 = arith.constant 0 : index
    %get3A_116 = vector.load %arg9[%get3A_114, %get3A_115] : memref<1x128xf32, #tpu.memory_space<vmem>>, vector<1x128xf32>
    %dot_general3A_117 = arith.constant dense<0.000000e+00> : vector<4096x128xf32>
    %dot_general3A_118 = tpu.matmul %concatenate3A_110, %broadcast_in_dim3A_106, %dot_general3A_117 {dimension_numbers = #tpu.dot_dimension_numbers<[1], [0], [0], [1], [0, 0, 1, 1], [], []>, transpose_lhs_hint = false} : vector<4096x128xf32>, vector<128x128xf32>, vector<4096x128xf32> -> vector<4096x128xf32>
    %sub3A_119 = arith.subf %concatenate3A_110, %dot_general3A_118 : vector<4096x128xf32>
    %mul3A_120 = arith.mulf %sub3A_119, %sub3A_119 : vector<4096x128xf32>
    %dot_general3A_121 = arith.constant dense<0.000000e+00> : vector<4096x128xf32>
    %dot_general3A_122 = tpu.matmul %mul3A_120, %broadcast_in_dim3A_106, %dot_general3A_121 {dimension_numbers = #tpu.dot_dimension_numbers<[1], [0], [0], [1], [0, 0, 1, 1], [], []>, transpose_lhs_hint = false} : vector<4096x128xf32>, vector<128x128xf32>, vector<4096x128xf32> -> vector<4096x128xf32>
    %add3A_123 = arith.constant 9.99999974E-6 : f32
    %add3A_124 = vector.broadcast %add3A_123 : f32 to vector<4096x128xf32>
    %add3A_125 = arith.addf %dot_general3A_122, %add3A_124 : vector<4096x128xf32>
    %rsqrt3A = math.rsqrt %add3A_125 : vector<4096x128xf32>
    %mul3A_126 = arith.mulf %sub3A_119, %rsqrt3A : vector<4096x128xf32>
    %mul3A_127 = vector.broadcast %get3A_113 : vector<1x128xf32> to vector<4096x128xf32>
    %mul3A_128 = arith.mulf %mul3A_126, %mul3A_127 : vector<4096x128xf32>
    %add3A_129 = vector.broadcast %get3A_116 : vector<1x128xf32> to vector<4096x128xf32>
    %add3A_130 = arith.addf %mul3A_128, %add3A_129 : vector<4096x128xf32>
    %get3A_131 = arith.constant 0 : index
    %get3A_132 = arith.constant 0 : index
    %get3A_133 = vector.load %arg10[%get3A_131, %get3A_132] : memref<128x128xf32, #tpu.memory_space<vmem>>, vector<128x128xf32>
    %dot_general3A_134 = arith.constant dense<0.000000e+00> : vector<4096x128xf32>
    %dot_general3A_135 = tpu.matmul %add3A_130, %get3A_133, %dot_general3A_134 {dimension_numbers = #tpu.dot_dimension_numbers<[1], [0], [0], [1], [0, 0, 1, 1], [], []>, transpose_lhs_hint = false} : vector<4096x128xf32>, vector<128x128xf32>, vector<4096x128xf32> -> vector<4096x128xf32>
    %get3A_136 = arith.constant 0 : index
    %get3A_137 = arith.constant 0 : index
    %get3A_138 = vector.load %arg11[%get3A_136, %get3A_137] : memref<1x128xf32, #tpu.memory_space<vmem>>, vector<1x128xf32>
    %add3A_139 = vector.broadcast %get3A_138 : vector<1x128xf32> to vector<4096x128xf32>
    %add3A_140 = arith.addf %dot_general3A_135, %add3A_139 : vector<4096x128xf32>
    %mul3A_141 = arith.constant 5.000000e-01 : f32
    %mul3A_142 = vector.broadcast %mul3A_141 : f32 to vector<4096x128xf32>
    %mul3A_143 = arith.mulf %add3A_140, %mul3A_142 : vector<4096x128xf32>
    %mul3A_144 = arith.constant 0.707106769 : f32
    %mul3A_145 = vector.broadcast %mul3A_144 : f32 to vector<4096x128xf32>
    %mul3A_146 = arith.mulf %add3A_140, %mul3A_145 : vector<4096x128xf32>
    %erf3A_147 = math.erf %mul3A_146 : vector<4096x128xf32>
    %mul3A_148 = arith.mulf %mul3A_143, %erf3A_147 : vector<4096x128xf32>
    %add3A_149 = arith.addf %mul3A_148, %mul3A_143 : vector<4096x128xf32>
    %get3A_150 = arith.constant 0 : index
    %get3A_151 = arith.constant 0 : index
    %get3A_152 = vector.load %arg12[%get3A_150, %get3A_151] : memref<1x128xf32, #tpu.memory_space<vmem>>, vector<1x128xf32>
    %get3A_153 = arith.constant 0 : index
    %get3A_154 = arith.constant 0 : index
    %get3A_155 = vector.load %arg13[%get3A_153, %get3A_154] : memref<1x128xf32, #tpu.memory_space<vmem>>, vector<1x128xf32>
    %dot_general3A_156 = arith.constant dense<0.000000e+00> : vector<4096x128xf32>
    %dot_general3A_157 = tpu.matmul %add3A_149, %broadcast_in_dim3A_106, %dot_general3A_156 {dimension_numbers = #tpu.dot_dimension_numbers<[1], [0], [0], [1], [0, 0, 1, 1], [], []>, transpose_lhs_hint = false} : vector<4096x128xf32>, vector<128x128xf32>, vector<4096x128xf32> -> vector<4096x128xf32>
    %sub3A_158 = arith.subf %add3A_149, %dot_general3A_157 : vector<4096x128xf32>
    %mul3A_159 = arith.mulf %sub3A_158, %sub3A_158 : vector<4096x128xf32>
    %dot_general3A_160 = arith.constant dense<0.000000e+00> : vector<4096x128xf32>
    %dot_general3A_161 = tpu.matmul %mul3A_159, %broadcast_in_dim3A_106, %dot_general3A_160 {dimension_numbers = #tpu.dot_dimension_numbers<[1], [0], [0], [1], [0, 0, 1, 1], [], []>, transpose_lhs_hint = false} : vector<4096x128xf32>, vector<128x128xf32>, vector<4096x128xf32> -> vector<4096x128xf32>
    %add3A_162 = arith.constant 9.99999974E-6 : f32
    %add3A_163 = vector.broadcast %add3A_162 : f32 to vector<4096x128xf32>
    %add3A_164 = arith.addf %dot_general3A_161, %add3A_163 : vector<4096x128xf32>
    %rsqrt3A_165 = math.rsqrt %add3A_164 : vector<4096x128xf32>
    %mul3A_166 = arith.mulf %sub3A_158, %rsqrt3A_165 : vector<4096x128xf32>
    %mul3A_167 = vector.broadcast %get3A_152 : vector<1x128xf32> to vector<4096x128xf32>
    %mul3A_168 = arith.mulf %mul3A_166, %mul3A_167 : vector<4096x128xf32>
    %add3A_169 = vector.broadcast %get3A_155 : vector<1x128xf32> to vector<4096x128xf32>
    %add3A_170 = arith.addf %mul3A_168, %add3A_169 : vector<4096x128xf32>
    %swap3A = arith.constant 0 : index
    %swap3A_171 = arith.constant 0 : index
    %swap3A_172 = vector.load %arg14[%swap3A, %swap3A_171] : memref<4096x128xf32, #tpu.memory_space<vmem>>, vector<4096x128xf32>
    tpu.vector_store %arg14[%swap3A, %swap3A_171], %add3A_170 {strides = array<i32>} : memref<4096x128xf32, #tpu.memory_space<vmem>>, vector<4096x128xf32>,
    return
  }
  func.func @transform_0(%arg0: i32) -> (i32, i32) {
    %c0_i32 = arith.constant 0 : i32
    %c0_i32_0 = arith.constant 0 : i32
    return %arg0, %c0_i32 : i32, i32
  }
  func.func @transform_1(%arg0: i32) -> (i32, i32) {
    %c0_i32 = arith.constant 0 : i32
    %c0_i32_0 = arith.constant 0 : i32
    return %arg0, %c0_i32 : i32, i32
  }
  func.func @transform_2(%arg0: i32) -> (i32, i32) {
    %c0_i32 = arith.constant 0 : i32
    %c0_i32_0 = arith.constant 0 : i32
    %c0_i32_1 = arith.constant 0 : i32
    return %c0_i32, %c0_i32_0 : i32, i32
  }
  func.func @transform_3(%arg0: i32) -> (i32, i32) {
    %c0_i32 = arith.constant 0 : i32
    %c0_i32_0 = arith.constant 0 : i32
    %c0_i32_1 = arith.constant 0 : i32
    return %c0_i32, %c0_i32_0 : i32, i32
  }
  func.func @transform_4(%arg0: i32) -> (i32, i32) {
    %c0_i32 = arith.constant 0 : i32
    %c0_i32_0 = arith.constant 0 : i32
    %c0_i32_1 = arith.constant 0 : i32
    return %c0_i32, %c0_i32_0 : i32, i32
  }
  func.func @transform_5(%arg0: i32) -> (i32, i32) {
    %c0_i32 = arith.constant 0 : i32
    %c0_i32_0 = arith.constant 0 : i32
    %c0_i32_1 = arith.constant 0 : i32
    return %c0_i32, %c0_i32_0 : i32, i32
  }
  func.func @transform_6(%arg0: i32) -> (i32, i32) {
    %c0_i32 = arith.constant 0 : i32
    %c0_i32_0 = arith.constant 0 : i32
    %c0_i32_1 = arith.constant 0 : i32
    return %c0_i32, %c0_i32_0 : i32, i32
  }
  func.func @transform_7(%arg0: i32) -> (i32, i32) {
    %c0_i32 = arith.constant 0 : i32
    %c0_i32_0 = arith.constant 0 : i32
    %c0_i32_1 = arith.constant 0 : i32
    return %c0_i32, %c0_i32_0 : i32, i32
  }
  func.func @transform_8(%arg0: i32) -> (i32, i32) {
    %c0_i32 = arith.constant 0 : i32
    %c0_i32_0 = arith.constant 0 : i32
    %c0_i32_1 = arith.constant 0 : i32
    return %c0_i32, %c0_i32_0 : i32, i32
  }
  func.func @transform_9(%arg0: i32) -> (i32, i32) {
    %c0_i32 = arith.constant 0 : i32
    %c0_i32_0 = arith.constant 0 : i32
    %c0_i32_1 = arith.constant 0 : i32
    return %c0_i32, %c0_i32_0 : i32, i32
  }
  func.func @transform_10(%arg0: i32) -> (i32, i32) {
    %c0_i32 = arith.constant 0 : i32
    %c0_i32_0 = arith.constant 0 : i32
    %c0_i32_1 = arith.constant 0 : i32
    return %c0_i32, %c0_i32_0 : i32, i32
  }
  func.func @transform_11(%arg0: i32) -> (i32, i32) {
    %c0_i32 = arith.constant 0 : i32
    %c0_i32_0 = arith.constant 0 : i32
    %c0_i32_1 = arith.constant 0 : i32
    return %c0_i32, %c0_i32_0 : i32, i32
  }
  func.func @transform_12(%arg0: i32) -> (i32, i32) {
    %c0_i32 = arith.constant 0 : i32
    %c0_i32_0 = arith.constant 0 : i32
    %c0_i32_1 = arith.constant 0 : i32
    return %c0_i32, %c0_i32_0 : i32, i32
  }
  func.func @transform_13(%arg0: i32) -> (i32, i32) {
    %c0_i32 = arith.constant 0 : i32
    %c0_i32_0 = arith.constant 0 : i32
    return %arg0, %c0_i32 : i32, i32
  }
}

</mosaic_0001>

<sc_bundles>
// kernel: kernel.5.cloned.1.call-start
scs
__scs_entry_jumppad:
0x0: {  	(pc) =	sbr.rel $0x88, $3  }
0x1: {  	(tag) =	ssettag $0x0;
	lr =	simm.s32 $0x1  }
0x2: {  	[smem:$0x3F93] =	sst lr;
	_ =	strace $0xD0000000  }
0x3: {  	_ = 	snop  }
0x4: {  	_ = 	snop  }
0x5: {  	_ = 	snop  }
0x6: {  	_ = 	snop  }
0x7: {  	_ = 	snop  }
__scs_overlays_trampoline_lowered:
0x8: {  	[smem:$0x3FA2] =	sst s0  }
0x9: {  	[smem:$0x3FA3] =	sst s1  }
0xa: {  	[smem:$0x3FA4] =	sst s2  }
0xb: {  	[smem:$0x3FA5] =	sst s3  }
0xc: {  	[smem:$0x3FA6] =	sst s4  }
0xd: {  	[smem:$0x3FA7] =	sst s5  }
0xe: {  	[smem:$0x3FA8] =	sst s6  }
0xf: {  	[smem:$0x3FA9] =	sst s7  }
0x10: {  	[smem:$0x3FAA] =	sst s8  }
0x11: {  	[smem:$0x3FAB] =	sst s9;
	s0 =	simm.s32 @!p0 $0x0  }
0x12: {  	s1 =	sld [smem:$0x3F91];
	s0 =	simm.s32 @p0 $0x1  }
0x13: {  	[smem:$0x3FAC] =	sst s0;
	s0 =	simm.s32 @!p1 $0x0  }
0x14: {  	s2 =	sld [smem:$0x3F90];
	s0 =	simm.s32 @p1 $0x1  }
0x15: {  	[smem:$0x3FAD] =	sst s0;
	s0 =	simm.s32 @!p2 $0x0  }
0x16: {  	s3 =	sld [smem:$0x3FDB];
	s0 =	simm.s32 @p2 $0x1  }
0x17: {  	s4 =	simm.s32 $0x1BF5;
	[smem:$0x3FAF] =	sst s0  }
0x18: {  	s0 =	sld [smem:$0x3F92];
	_ =	swait.ge [sflag:s4], $0x0  }
0x19: {  	s7 =	sld [smem:$0x3F93]  }
0x1a: {  	s8 =	sadd.s32 $0xFFFFE003, lr  }
0x1b: {  	s9 =	sadd.s32 $0xFFFFFEF7, lr;
	s5 =	simm.s32 $0xFFFFFFFF;
	p2 =	slt.u32 s8, $0xFFFFF086  }
0x1c: {  	p1 =	slt.u32 s9, $0xF7A;
	s5 =	simm.s32 @!p2 $0x0  }
0x1d: {  	s5 =	simm.s32 @p1 $0x1;
	p0 =	seq.s32 s7, s2  }
0x1e: {  	s7 =	smul.u32 @!p0 $0xF7A, s2;
	p2 =	seq.s32 @!p0 s5, $0x0  }
0x1f: {  	s9 =	smul.u32 $0xF7A, s1;
	s8 =	simm.s32 @!p0 $0x1BF5;
	p2 =	por !p2, p0  }
0x20: {  	[sflag:s8] =	ssyncset.s32 @!p0 $0xFFFFF086;
	s6 =	sadd.s32 @!p0 s3, s7;
	s7 =	simm.s32 @!p0 $0x108  }
0x21: {  	s3 =	sadd.s32 s3, s9;
	s6 =	sadd.s32 @!p0 $0x88, s6;
	s7 =	simm.s32 @p2 $0x1082  }
0x22: {  	[simem:s7], [sflag:s8] =	dma.local @!p0 [hbm:s6], $0xF7A  }
0x23: {  	s9 =	sor.u32 $0xD0000000, s2;
	s6 =	simm.s32 $0x108;
	_ =	swait.ge @!p0 [sflag:s8], $0x0  }
0x24: {  	s3 =	sadd.s32 $0x88, s3;
	s6 =	simm.s32 @!p1 $0x1082;
	[sflag:s4] =	ssyncset.s32 $0xFFFFF086  }
0x25: {  	[simem:s6], [sflag:s4] =	dma.local [hbm:s3], $0xF7A  }
0x26: {  	[smem:$0x3F93] =	sst s1;
	(tag) =	ssettag s2;
	_ =	strace s9  }
0x27: {  	s1 =	sld [smem:$0x3FA3]  }
0x28: {  	s2 =	sld [smem:$0x3FA4]  }
0x29: {  	s4 =	sld [smem:$0x3FA6]  }
0x2a: {  	p0 =	seq.s32 s5, $0x0;
	s5 =	sld [smem:$0x3FA7]  }
0x2b: {  	s6 =	sld [smem:$0x3FA8]  }
0x2c: {  	s7 =	sld [smem:$0x3FA9]  }
0x2d: {  	s3 =	simm.s32 $0x108;
	s8 =	sld [smem:$0x3FAA]  }
0x2e: {  	s3 =	simm.s32 @!p0 $0x1082;
	s9 =	sld [smem:$0x3FAB]  }
0x2f: {  	lr =	sadd.s32 s0, s3;
	s0 =	sld [smem:$0x3FA2]  }
0x30: {  	s3 =	sld [smem:$0x3FA5]  }
0x31: {  	[smem:$0x3FAE] =	sst s10  }
0x32: {  	s10 =	sld [smem:$0x3FAC];
	_ =	sdelay $0x3  }
0x33: {  	p0 =	seq.s32 s10, $0x1;
	s10 =	sld [smem:$0x3FAE];
	_ =	sdelay $0x3  }
0x34: {  	[smem:$0x3FAE] =	sst s10  }
0x35: {  	s10 =	sld [smem:$0x3FAD];
	_ =	sdelay $0x3  }
0x36: {  	p1 =	seq.s32 s10, $0x1;
	s10 =	sld [smem:$0x3FAE];
	_ =	sdelay $0x3  }
0x37: {  	[smem:$0x3FAE] =	sst s10  }
0x38: {  	s10 =	sld [smem:$0x3FAF]  }
0x39: {  	_ = 	snop;
	(pc) =	sbr.ind lr, $3  }
0x3a: {  	_ = 	snop  }
0x3b: {  	_ = 	snop  }
0x3c: {  	p2 =	seq.s32 s10, $0x1;
	s10 =	sld [smem:$0x3FAE]  }
0x3d: {  	_ =	shalt  }
0x3e: {  	_ =	shalt  }
0x3f: {  	_ =	shalt  }
0x40: {  	_ =	shalt  }
0x41: {  	_ =	shalt  }
0x42: {  	_ =	shalt  }
0x43: {  	_ =	shalt  }
0x44: {  	_ =	shalt  }
0x45: {  	_ =	shalt  }
0x46: {  	_ =	shalt  }
0x47: {  	_ =	shalt  }
0x48: {  	_ =	shalt  }
0x49: {  	_ =	shalt  }
0x4a: {  	_ =	shalt  }
0x4b: {  	_ =	shalt  }
0x4c: {  	_ =	shalt  }
0x4d: {  	_ =	shalt  }
0x4e: {  	_ =	shalt  }
0x4f: {  	_ =	shalt  }
0x50: {  	_ =	shalt  }
0x51: {  	_ =	shalt  }
0x52: {  	_ =	shalt  }
0x53: {  	_ =	shalt  }
0x54: {  	_ =	shalt  }
0x55: {  	_ =	shalt  }
0x56: {  	_ =	shalt  }
0x57: {  	_ =	shalt  }
0x58: {  	_ =	shalt  }
0x59: {  	_ =	shalt  }
0x5a: {  	_ =	shalt  }
0x5b: {  	_ =	shalt  }
0x5c: {  	_ =	shalt  }
0x5d: {  	_ =	shalt  }
0x5e: {  	_ =	shalt  }
0x5f: {  	_ =	shalt  }
0x60: {  	_ =	shalt  }
0x61: {  	_ =	shalt  }
0x62: {  	_ =	shalt  }
0x63: {  	_ =	shalt  }
0x64: {  	_ =	shalt  }
0x65: {  	_ =	shalt  }
0x66: {  	_ =	shalt  }
0x67: {  	_ =	shalt  }
0x68: {  	_ =	shalt  }
0x69: {  	_ =	shalt  }
0x6a: {  	_ =	shalt  }
0x6b: {  	_ =	shalt  }
0x6c: {  	_ =	shalt  }
0x6d: {  	_ =	shalt  }
0x6e: {  	_ =	shalt  }
0x6f: {  	_ =	shalt  }
0x70: {  	_ =	shalt  }
0x71: {  	_ =	shalt  }
0x72: {  	_ =	shalt  }
0x73: {  	_ =	shalt  }
0x74: {  	_ =	shalt  }
0x75: {  	_ =	shalt  }
0x76: {  	_ =	shalt  }
0x77: {  	_ =	shalt  }
0x78: {  	_ =	shalt  }
0x79: {  	_ =	shalt  }
0x7a: {  	_ =	shalt  }
0x7b: {  	_ =	shalt  }
0x7c: {  	_ =	shalt  }
0x7d: {  	_ =	shalt  }
0x7e: {  	_ =	shalt  }
0x7f: {  	_ =	shalt  }
0x80: {  	_ =	shalt  }
0x81: {  	_ =	shalt  }
0x82: {  	_ =	shalt  }
0x83: {  	_ =	shalt  }
0x84: {  	_ =	shalt  }
0x85: {  	_ =	shalt  }
0x86: {  	_ =	shalt  }
0x87: {  	_ =	shalt  }
.Lfunc_end0:
.L_simem_size_0:
called_computation_lowered:
.L_overlay_start_0:
0x88: {  	s2 =	sld [smem:$0x3FD9]  }
0x89: {  	s3 =	sld [smem:$0x3FFE];
	_ =	sdelay $0x1  }
0x8a: {  	s1 =	srdreg.scid  }
0x8b: {  	s0 =	sand.u32 $0x1, s1  }
0x8c: {  	s17 =	sshll.u32 s0, $0xA;
	s2 =	sadd.s32 s3, s2  }
0x8d: {  	s2 =	sadd.s32 s2, s17  }
0x8e: {  	[smem:$0x3FBA] =	sst s2  }
0x8f: {  	_ = 	snop  }
0x90: {  	s2 =	sld [smem:$0x3FD0];
	(tm) =	ssettm $0x1  }
0x91: {  	s18 =	sld [smem:$0x3FFB];
	_ =	sdelay $0x3  }
0x92: {  	_ =	strace s18  }
0x93: {  	s3 =	sld [smem:$0x3FFC];
	_ =	sdelay $0x3  }
0x94: {  	_ =	strace s3  }
0x95: {  	s3 =	sld [smem:$0x3FFD];
	_ =	sdelay $0x3  }
0x96: {  	_ =	strace s3  }
0x97: {  	_ =	strace $0x8FFFFFFF  }
0x98: {  	s19 =	sld [smem:$0x3FDB];
	_ =	sdelay $0x1  }
0x99: {  	s4 =	simm.s32 $_scs_section_size  }
0x9a: {  	s5 =	simm.s32 $_size__tile_overlayer_lowered;
	s6 =	simm.s32 $_tile_overlayer_lowered  }
0x9b: {  	s22 =	simm.s32 $0x1BFF;
	s21 =	sshll.u32 s6, $0x1;
	s3 =	sadd.s32 s4, s19  }
0x9c: {  	s7 =	simm.s32 $0x0;
	s20 =	sshll.u32 s5, $0x1;
	s5 =	sadd.s32 s21, s3  }
0x9d: {  	[timem:s7], [sflag:s22] =	dma.local [hbm:s5], s20  }
0x9e: {  	_ =	swait.ge [sflag:s22], s20  }
0x9f: {  	s4 =	ssub.s32 $0x0, s20;
	[sflag:s22] =	ssyncset.done $0x0  }
0xa0: {  	[sflag:s22] =	ssyncadd.s32 s4;
	_ =	sdelay $0x1  }
0xa1: {  	s23 =	simm.s32 $0x1B8B  }
0xa2: {  	_ =	swait.ge [sflag:s23], $0x1  }
0xa3: {  	[sflag:s23] =	ssyncset.done $0x0  }
0xa4: {  	s25 =	simm.s32 $0x1B8E;
	s24 =	sld [smem:$0x3FFE];
	[sflag:s23] =	ssyncadd.s32 $0xFFFFFFFF  }
0xa5: {  	s26 =	simm.s32 $execute0_lowered;
	[smem:$0x3FD2] =	sst s25  }
0xa6: {  	s5 =	sshll.u32 s26, $0x1;
	_ =	strace $0x80000046;
	[dreg:$0x1] =	wrdreg $0xFFFFFFFF  }
0xa7: {  	s28 =	simm.s32 $_size_execute0_lowered;
	s3 =	sadd.s32 s3, s5;
	[dreg:$0x0] =	wrdreg $0x0  }
0xa8: {  	s5 =	sshll.u32 s28, $0x1;
	[dreg:$0x2] =	wrdreg s3  }
0xa9: {  	[dreg:$0x3] =	wrdreg s5  }
0xaa: {  	[dreg:$0x4] =	wrdreg $0xC0  }
0xab: {  	_ =	task [dreg:s7], $0x5FFFF  }
0xac: {  	[dreg:$0x1] =	wrdreg $0xFFFFFFFF  }
0xad: {  	[dreg:$0x0] =	wrdreg $0x60  }
0xae: {  	[dreg:$0x2] =	wrdreg s2  }
0xaf: {  	[dreg:$0x3] =	wrdreg s24  }
0xb0: {  	[dreg:$0x4] =	wrdreg $0x9  }
0xb1: {  	_ =	task.clear_ibuf [dreg:s7], $0x5FFFF;
	_ =	strace $0x90000046  }
0xb2: {  	s29 =	simm.s32 $0x9;
	_ =	strace $0x80000048  }
0xb3: {  	_ =	swait.ge [sflag:s29], $0x1  }
0xb4: {  	[sflag:s29] =	ssyncadd.s32 $0xFFFFFFFF  }
0xb5: {  	_ =	strace $0x90000048  }
0xb6: {  	_ =	sfence  }
0xb7: {  	s30 =	sld [smem:$0x0];
	_ =	sdelay $0x2  }
0xb8: {  	s31 =	sshll.u32 s1, $0xD;
	s1 =	sshrl.u32 s1, $0x2  }
0xb9: {  	s3 =	sand.u32 $0x4000, s31;
	s1 =	sadd.s32 s1, s30  }
0xba: {  	s0 =	sor.u32 s3, s0;
	s1 =	sshll.u32 s1, $0x11  }
0xbb: {  	s0 =	sor.u32 s1, s0  }
0xbc: {  	s0 =	sadd.s32 $0x8F2B, s0  }
0xbd: {  	[sflag:s0] =	ssyncadd.remote.s32 $0x1  }
0xbe: {  	_ =	sfence.sel $0xFFFF  }
0xbf: {  	[dreg:$0x0] =	wrdreg $0xFFFFFFFF;
	(pc) =	sbr.abs _section_cstart, $3  }
0xc0: {  	[dreg:$0x1] =	wrdreg $0xFFFFFFFF  }
0xc1: {  	_ =	task.clear_ibuf [dreg:s7], $0x2FFFF;
	_ =	strace $0x9FFFFFFF  }
0xc2: {  	(tm) =	ssettm $0x7FFFFFFF  }
0xc3: {  	_ =	shalt  }
tec
execute0_lowered:
.L_overlay_start_1:
0x0: {  	(tag) =	ssettag $0x1  }
0x1: {  	s2 =	rddreg [dreg:$0x0];
	s1 =	srdreg.scid  }
0x2: {  	s0 =	stileid.u32;
	s4 =	rddreg [dreg:$0x1]  }
0x3: {  	s3 =	simm.s32 $0x0;
	s11 =	simm.s32 $0x5C00;
	s12 =	simm.s32 $0x0  }
0x4: {  	s5 =	sand.u32 $0x1, s1;
	s6 =	sshll.u32 s0, $0x1;
	s1 =	rddreg [dreg:$0x2]  }
0x5: {  	[smem:$0x7FF] =	sst s3;
	s29 =	smul.u32 $0x32000, s0;
	s6 =	sor.u32 s5, s6  }
0x6: {  	s10 =	sadd.s32 $0x8C00, s4;
	s8 =	ssub.s32 $0x2, s5;
	s7 =	smul.u32 $0x380, s6  }
0x7: {  	_ =	strace $0x80000047;
	s9 =	sshrl.u32 s8, $0x1;
	s6 =	smul.u32 $0x19000, s6  }
0x8: {  	s30 =	smul.u32 $0x19000, s5;
	s31 =	sadd.s32 s29, s10;
	s8 =	ssub.s32 s8, s9  }
0x9: {  	s9 =	simm.s32 $0x1C00;
	s7 =	sadd.s32 s7, s4;
	s6 =	sadd.s32 s10, s6  }
0xa: {  	s5 =	smax.u32 s8, $0x1;
	s8 =	simm.s32 $0x3;
	s10 =	simm.s32 $0x2  }
0xb: {  	s4 =	sadd.s32 $0x1C00, s7;
	s6 =	sadd.s32 $0x18800, s6;
	s7 =	sadd.s32 s30, s31  }
.LBB2_1:
0xc: {  	[tilespmem:s3], [sflag:$0x3] =	stream.linear.gather [hbm4b:s4+s3], $0x1900, $0x38;
	[tilespmem:$0x9C00] =	vst v63  }
0xd: {  	_ =	swait.ge [sflag:s8], $0x1900  }
0xe: {  	s13 =	simm.s32 $0x80;
	s14 =	sand.u32 $0x1, s3;
	[sflag:s8] =	ssyncset.done $0x0  }
0xf: {  	s17 =	simm.s32 $0x1;
	p0 =	seq.s32 s14, $0x0;
	[sflag:s8] =	ssyncadd.s32 $0xFFFFE700  }
0x10: {  	[tilespmem:s9], [sflag:$0x1] =	stream.indirect.gather [hbm4b:s2+s13], $0x80, s3, s13, $0xb8;
	[tilespmem:$0x9C00] =	vst v63  }
0x11: {  	s15 =	sand.u32 $0x1, s17;
	s16 =	simm.s32 @!p0 $0x80;
	s18 =	simm.s32 @!p0 $0x1C00  }
0x12: {  	[tilespmem:s18], [sflag:$0x1] =	stream.indirect.gather @!p0 [hbm4b:s2+s16], $0x80, s13, s16, $0xb8;
	[tilespmem:$0x9C00] =	vst v63  }
0x13: {  	p1 =	seq.s32 s15, $0x0;
	p0 =	seq.s32 s14, $0x1  }
0x14: {  	s15 =	simm.s32 @!p1 $0x5C00;
	s14 =	simm.s32 @!p1 $0x80;
	s16 =	simm.s32 @p0 $0x2  }
0x15: {  	[tilespmem:s15], [sflag:$0x2] =	stream.indirect.gather @!p1 [hbm4b:s2+s14], $0x80, s13, s14, $0xb8;
	[tilespmem:$0x9C00] =	vst v63  }
0x16: {  	_ =	swait.ge @p0 [sflag:s16], $0x4000  }
0x17: {  	s18 =	simm.s32 @!p0 $0x1;
	[sflag:s16] =	ssyncset.done @p0 $0x0  }
0x18: {  	s13 =	simm.s32 @p0 $0x0;
	s14 =	simm.s32 @p0 $0x5C00;
	[sflag:s16] =	ssyncadd.s32 @p0 $0xFFFFC000  }
0x19: {  	[hbm4b:s7+s13] =	stream.linear.scatter @p0 [tilespmem:s14], [sflag:$0x3], $0x4000, $0x38;
	[tilespmem:$0x9C00] =	vst v63  }
0x1a: {  	s17 =	sand.u32 $0x1, s17;
	_ =	swait.ge @!p0 [sflag:s18], $0x4000  }
0x1b: {  	s15 =	simm.s32 $0x2;
	s16 =	simm.s32 @!p0 $0x4;
	[sflag:s18] =	ssyncset.done @!p0 $0x0  }
0x1c: {  	s13 =	simm.s32 @!p0 $0x0;
	s14 =	simm.s32 @!p0 $0x1C00;
	[sflag:s18] =	ssyncadd.s32 @!p0 $0xFFFFC000  }
0x1d: {  	[hbm4b:s7+s13] =	stream.linear.scatter @!p0 [tilespmem:s14], [sflag:$0x4], $0x4000, $0x38;
	[tilespmem:$0x9C00] =	vst v63  }
0x1e: {  	s19 =	sand.u32 $0x1, s15;
	s16 =	simm.s32 @p0 $0x3;
	s14 =	simm.s32 $0x100  }
0x1f: {  	s13 =	sadd.s32 $0x800, s7;
	p0 =	seq.s32 s19, $0x0;
	_ =	swait.ge [sflag:s16], $0x4000  }
.LBB2_2:
0x20: {  	p1 =	seq.s32 s17, $0x0;
	[sflag:s16] =	ssyncset.done $0x0  }
0x21: {  	s18 =	smov.u32 s15;
	s15 =	sadd.s32 $0x1, s15;
	s19 =	smov.u32 s13  }
0x22: {  	s20 =	simm.s32 @!p1 $0x80;
	s21 =	simm.s32 @!p1 $0x1C00;
	[sflag:s16] =	ssyncadd.s32 $0xFFFFC000  }
0x23: {  	[tilespmem:s21], [sflag:$0x1] =	stream.indirect.gather @!p1 [hbm4b:s2+s20], $0x80, s14, s20, $0xb8;
	[tilespmem:$0x9C00] =	vst v63  }
0x24: {  	s20 =	sand.u32 $0x1, s15;
	s21 =	simm.s32 @!p0 $0x80;
	p1 =	seq.s32 s17, $0x1  }
0x25: {  	s17 =	simm.s32 @!p0 $0x5C00;
	s22 =	simm.s32 @p1 $0x2;
	s16 =	simm.s32 @!p1 $0x4  }
0x26: {  	[tilespmem:s17], [sflag:$0x2] =	stream.indirect.gather @!p0 [hbm4b:s2+s21], $0x80, s14, s21, $0xb8;
	[tilespmem:$0x9C00] =	vst v63  }
0x27: {  	p2 =	sne.s32 s15, $0x31;
	_ =	swait.ge @p1 [sflag:s22], $0x4000  }
0x28: {  	s17 =	simm.s32 @p1 $0x0;
	s21 =	simm.s32 @p1 $0x5C00;
	[sflag:s22] =	ssyncset.done @p1 $0x0  }
0x29: {  	[sflag:s22] =	ssyncadd.s32 @p1 $0xFFFFC000;
	s22 =	simm.s32 @!p1 $0x1  }
0x2a: {  	[hbm4b:s13+s17] =	stream.linear.scatter @p1 [tilespmem:s21], [sflag:$0x3], $0x4000, $0x38;
	[tilespmem:$0x9C00] =	vst v63  }
.Ltmp0:
0x2b: {  	s14 =	sadd.s32 $0x80, s14;
	_ =	swait.ge @!p1 [sflag:s22], $0x4000;
	(pc) =	sbr.rel @p2 .LBB2_2-.Ltmp0, $4  }
0x2c: {  	s17 =	simm.s32 @!p1 $0x0;
	s21 =	simm.s32 @!p1 $0x1C00;
	[sflag:s22] =	ssyncset.done @!p1 $0x0  }
0x2d: {  	s16 =	simm.s32 @p1 $0x3;
	s13 =	sadd.s32 $0x800, s13;
	[sflag:s22] =	ssyncadd.s32 @!p1 $0xFFFFC000  }
0x2e: {  	[hbm4b:s19+s17] =	stream.linear.scatter @!p1 [tilespmem:s21], [sflag:$0x4], $0x4000, $0x38;
	[tilespmem:$0x9C00] =	vst v63  }
0x2f: {  	p0 =	seq.s32 s20, $0x0;
	s17 =	sand.u32 $0x1, s18;
	_ =	swait.ge [sflag:s16], $0x4000  }
0x30: {  	p1 =	seq.s32 s17, $0x0;
	[sflag:s16] =	ssyncset.done $0x0  }
0x31: {  	s15 =	simm.s32 @!p1 $0x80;
	s18 =	simm.s32 @!p1 $0x1C00;
	[sflag:s16] =	ssyncadd.s32 $0xFFFFC000  }
0x32: {  	[tilespmem:s18], [sflag:$0x1] =	stream.indirect.gather @!p1 [hbm4b:s2+s15], $0x80, s14, s15, $0xb8;
	[tilespmem:$0x9C00] =	vst v63  }
0x33: {  	p1 =	seq.s32 s17, $0x1  }
0x34: {  	s16 =	simm.s32 @!p0 $0x5C00;
	s15 =	simm.s32 @!p0 $0x80;
	s17 =	simm.s32 @p1 $0x2  }
0x35: {  	[tilespmem:s16], [sflag:$0x2] =	stream.indirect.gather @!p0 [hbm4b:s2+s15], $0x80, s14, s15, $0xb8;
	[tilespmem:$0x9C00] =	vst v63  }
0x36: {  	_ =	swait.ge @p1 [sflag:s17], $0x4000  }
0x37: {  	s14 =	simm.s32 @p1 $0x0;
	[sflag:s17] =	ssyncset.done @p1 $0x0  }
0x38: {  	s15 =	simm.s32 @p1 $0x5C00;
	s16 =	simm.s32 @!p1 $0x1;
	[sflag:s17] =	ssyncadd.s32 @p1 $0xFFFFC000  }
0x39: {  	[hbm4b:s13+s14] =	stream.linear.scatter @p1 [tilespmem:s15], [sflag:$0x3], $0x4000, $0x38;
	[tilespmem:$0x9C00] =	vst v63  }
0x3a: {  	_ =	swait.ge @!p1 [sflag:s16], $0x4000  }
0x3b: {  	s17 =	simm.s32 @!p1 $0x1C00;
	s14 =	simm.s32 @!p1 $0x4;
	[sflag:s16] =	ssyncset.done @!p1 $0x0  }
0x3c: {  	s15 =	simm.s32 @!p1 $0x0;
	s14 =	simm.s32 @p1 $0x3;
	[sflag:s16] =	ssyncadd.s32 @!p1 $0xFFFFC000  }
0x3d: {  	[hbm4b:s13+s15] =	stream.linear.scatter @!p1 [tilespmem:s17], [sflag:$0x4], $0x4000, $0x38;
	[tilespmem:$0x9C00] =	vst v63  }
0x3e: {  	_ =	swait.ge [sflag:s14], $0x4000  }
0x3f: {  	[sflag:s14] =	ssyncset.done $0x0  }
0x40: {  	[sflag:s14] =	ssyncadd.s32 $0xFFFFC000  }
0x41: {  	s12 =	sadd.s32 $0x1, s12;
	_ =	swait.ge [sflag:s10], $0x4000  }
0x42: {  	p0 =	sne.s32 s12, s5;
	[sflag:s10] =	ssyncset.done $0x0  }
.Ltmp1:
0x43: {  	[sflag:s10] =	ssyncadd.s32 $0xFFFFC000;
	(pc) =	sbr.rel @p0 .LBB2_1-.Ltmp1, $4  }
0x44: {  	[hbm4b:s6+s3] =	stream.linear.scatter [tilespmem:s11], [sflag:$0x3], $0x4000, $0x38;
	[tilespmem:$0x9C00] =	vst v63  }
0x45: {  	_ =	swait.ge [sflag:s8], $0x4000  }
0x46: {  	[sflag:s8] =	ssyncset.done $0x0  }
0x47: {  	[sflag:s8] =	ssyncadd.s32 $0xFFFFC000  }
0x48: {  	_ =	sfence.sel $0x180000  }
0x49: {  	[bflag:$0x0] =	sbarrier.arrive $0xFFFF  }
0x4a: {  	p0 =	sne.s32 s0, $0x0;
	_ =	strace $0x90000047  }
0x4b: {  	s0 =	sadd.s32 @!p0 $0x100000, s1;
	[bflag:$0x2] =	sbarrier.arrive $0xFFFF  }
0x4c: {  	[sflag:s0] =	ssyncadd.tile.s32 @!p0 $0x1;
	_ =	shalt  }
.Lfunc_end2:
_tile_overlayer_lowered:
.L_overlay_start_2:
0x4d: {  	(tag) =	ssettag $0x2  }
0x4e: {  	s0 =	rddreg [dreg:$0x0];
	s2 =	stileid.u32  }
0x4f: {  	s1 =	rddreg [dreg:$0x1];
	p0 =	sne.s32 s2, $0x0  }
0x50: {  	s3 =	rddreg [dreg:$0x2];
	[bflag:$0x3] =	sbarrier.arrive $0xFFFF;
	s2 =	simm.s32 @!p0 $0x1C03  }
0x51: {  	[timem:s3], [sflag:s2] =	dma.local @!p0 [hbm:s0], s1  }
0x52: {  	s0 =	simm.s32 @!p0 $0x3  }
0x53: {  	_ =	swait.ge @!p0 [sflag:s0], s1  }
0x54: {  	s1 =	ssub.s32 @!p0 $0x0, s1;
	[sflag:s0] =	ssyncset.done @!p0 $0x0  }
0x55: {  	[sflag:s0] =	ssyncadd.s32 @!p0 s1  }
0x56: {  	[bflag:$0x3] =	sbarrier.arrive $0xFFFF  }
0x57: {  	_ =	shalt  }

</sc_bundles>
